<compile_context>
chip_gen: v7x
topology: tpu7x:2x2x1
jax: 0.10.2.dev20260603
libtpu: 0.0.44.dev20260713+nightly
codegen_flags: <defaults>
</compile_context>

<pallas_src>
import functools

import jax
import jax.numpy as jnp
from jax import lax
from jax.experimental import pallas as pl
from jax.experimental.pallas import tpu as pltpu
from jax.experimental.pallas import tpu_sc as plsc

N_NODES = 10000
N_EDGES = 320000
EMB = 128
N_RBF = 6
NUM_EMB = 95

_NC = 2
_NS = 16
_NW = _NC * _NS
_EPW = N_EDGES // _NW
_CH = 80
_NCHUNK = _EPW // _CH


def _silu(x):
    return x * jax.nn.sigmoid(x)


def _tables_body(an_ref, emb_ref, w1_ref, w2_ref, bout_ref, c1_ref, c2_ref):
    an = an_ref[...]
    classes = lax.broadcasted_iota(jnp.int32, (an.shape[0], 128), 1)
    oh = (an == classes).astype(jnp.float32)
    e = jnp.dot(oh, emb_ref[...], preferred_element_type=jnp.float32)
    c1_ref[...] = (
        jnp.dot(e, w1_ref[...], preferred_element_type=jnp.float32)
        + bout_ref[...]
    )
    c2_ref[...] = jnp.dot(e, w2_ref[...], preferred_element_type=jnp.float32)


def _build_tables(an2, emb_pad, w1, w2, bout2):
    nb = 1000
    grid = N_NODES // nb
    return pl.pallas_call(
        _tables_body,
        grid=(grid,),
        in_specs=[
            pl.BlockSpec((nb, 1), lambda i: (i, 0)),
            pl.BlockSpec((128, EMB), lambda i: (0, 0)),
            pl.BlockSpec((EMB, EMB), lambda i: (0, 0)),
            pl.BlockSpec((EMB, EMB), lambda i: (0, 0)),
            pl.BlockSpec((1, EMB), lambda i: (0, 0)),
        ],
        out_specs=[
            pl.BlockSpec((nb, EMB), lambda i: (i, 0)),
            pl.BlockSpec((nb, EMB), lambda i: (i, 0)),
        ],
        out_shape=[
            jax.ShapeDtypeStruct((N_NODES, EMB), jnp.float32),
            jax.ShapeDtypeStruct((N_NODES, EMB), jnp.float32),
        ],
    )(an2, emb_pad, w1, w2, bout2)


def _sc_gather(c1, c2, pi, pj):
    mesh = plsc.VectorSubcoreMesh(core_axis_name="c", subcore_axis_name="s")

    @functools.partial(
        pl.kernel,
        mesh=mesh,
        out_type=[
            jax.ShapeDtypeStruct((N_EDGES, EMB), jnp.float32),
            jax.ShapeDtypeStruct((N_EDGES, EMB), jnp.float32),
        ],
        scratch_types=[
            pltpu.VMEM((_CH,), jnp.int32),
            pltpu.VMEM((_CH,), jnp.int32),
            pltpu.VMEM((_CH, EMB), jnp.float32),
            pltpu.VMEM((_CH, EMB), jnp.float32),
            pltpu.SemaphoreType.DMA,
            pltpu.SemaphoreType.DMA,
        ],
    )
    def k(c1_hbm, c2_hbm, pi_hbm, pj_hbm, g1_hbm, g2_hbm,
          idx1, idx2, rows1, rows2, sem1, sem2):
        wid = lax.axis_index("s") * _NC + lax.axis_index("c")

        def body(c, carry):
            base = wid * _EPW + c * _CH
            pltpu.sync_copy(pi_hbm.at[pl.ds(base, _CH)], idx1)
            pltpu.sync_copy(pj_hbm.at[pl.ds(base, _CH)], idx2)
            cp1 = pltpu.async_copy(c1_hbm.at[idx1], rows1, sem1)
            cp2 = pltpu.async_copy(c2_hbm.at[idx2], rows2, sem2)
            cp1.wait()
            cp2.wait()
            pltpu.sync_copy(rows1, g1_hbm.at[pl.ds(base, _CH)])
            pltpu.sync_copy(rows2, g2_hbm.at[pl.ds(base, _CH)])
            return carry

        lax.fori_loop(0, _NCHUNK, body, 0)

    return k(c1, c2, pi, pj)


def _main_body(g1_ref, g2_ref, f_ref, wr_ref, br_ref, w3_ref, out_ref):
    r = jnp.dot(f_ref[...], wr_ref[...], preferred_element_type=jnp.float32)
    r = _silu(_silu(r + br_ref[...]))
    d = jnp.dot(r, w3_ref[...], preferred_element_type=jnp.float32)
    out_ref[...] = _silu(d + g1_ref[...] + g2_ref[...])


def _main_call(g1, g2, f_pad, wr_pad, br2, w3):
    eb = 4000
    grid = N_EDGES // eb
    return pl.pallas_call(
        _main_body,
        grid=(grid,),
        in_specs=[
            pl.BlockSpec((eb, EMB), lambda i: (i, 0)),
            pl.BlockSpec((eb, EMB), lambda i: (i, 0)),
            pl.BlockSpec((eb, 8), lambda i: (i, 0)),
            pl.BlockSpec((8, EMB), lambda i: (0, 0)),
            pl.BlockSpec((1, EMB), lambda i: (0, 0)),
            pl.BlockSpec((EMB, EMB), lambda i: (0, 0)),
        ],
        out_specs=pl.BlockSpec((eb, EMB), lambda i: (i, 0)),
        out_shape=jax.ShapeDtypeStruct((N_EDGES, EMB), jnp.float32),
    )(g1, g2, f_pad, wr_pad, br2, w3)


def kernel(atomic_numbers, pair_indices, f_ij, emb_table, W_rbf, b_rbf,
           W_out, b_out):
    an2 = atomic_numbers.astype(jnp.int32).reshape(N_NODES, 1)
    emb_pad = jnp.zeros((128, EMB), jnp.float32).at[:NUM_EMB].set(emb_table)
    w1 = W_out[:EMB]
    w2 = W_out[EMB:2 * EMB]
    w3 = W_out[2 * EMB:]
    c1, c2 = _build_tables(an2, emb_pad, w1, w2, b_out.reshape(1, EMB))

    pi = pair_indices[0].astype(jnp.int32)
    pj = pair_indices[1].astype(jnp.int32)
    g1, g2 = _sc_gather(c1, c2, pi, pj)

    f_pad = jnp.pad(f_ij, ((0, 0), (0, 2)))
    wr_pad = jnp.pad(W_rbf, ((0, 2), (0, 0)))
    return _main_call(g1, g2, f_pad, wr_pad, b_rbf.reshape(1, EMB), w3)

# --- scband reference (transcript-rebuilt; emitter-appended) ---
"""Pipeline reference for scband-embedding-block-1228360647350 (READ-ONLY COPY).

The authoritative reference and input builder live on the scoring server;
editing this copy changes nothing except your own understanding.
"""

import jax, jax.numpy as jnp
import numpy as np

N_NODES = 10000
N_EDGES = 320000
EMB = 128
N_RBF = 6
NUM_EMB = 95


def silu(x):
    return x * jax.nn.sigmoid(x)


def setup_inputs(seed: int = 0) -> dict:
    key = jax.random.key(seed)
    ks = jax.random.split(key, 8)
    atomic_numbers = jax.random.randint(ks[0], (N_NODES,), 0, NUM_EMB)
    pair_indices = jax.random.randint(ks[1], (2, N_EDGES), 0, N_NODES)
    f_ij = jax.random.normal(ks[2], (N_EDGES, N_RBF), dtype=jnp.float32)
    # trainable params
    emb_range = float(np.sqrt(3.0))
    emb_table = jax.random.uniform(ks[3], (NUM_EMB, EMB), minval=-emb_range, maxval=emb_range, dtype=jnp.float32)
    W_rbf = jax.random.normal(ks[4], (N_RBF, EMB), dtype=jnp.float32) * 0.1
    b_rbf = jnp.zeros((EMB,), dtype=jnp.float32)
    W_out = jax.random.normal(ks[5], (3 * EMB, EMB), dtype=jnp.float32) * 0.05
    b_out = jnp.zeros((EMB,), dtype=jnp.float32)
    return {
        "atomic_numbers": atomic_numbers,
        "pair_indices": pair_indices,
        "f_ij": f_ij,
        "emb_table": emb_table,
        "W_rbf": W_rbf,
        "b_rbf": b_rbf,
        "W_out": W_out,
        "b_out": b_out,
    }


def reference(atomic_numbers, pair_indices, f_ij, emb_table, W_rbf, b_rbf, W_out, b_out):
    # Dense(rbf) with activation, then self.activation again (as written in the module)
    rbf = silu(silu(f_ij @ W_rbf + b_rbf))
    Z_i = atomic_numbers[pair_indices[0]]
    Z_j = atomic_numbers[pair_indices[1]]
    x_i = jnp.take(emb_table, Z_i, axis=0)
    x_j = jnp.take(emb_table, Z_j, axis=0)
    x = jnp.concatenate([x_i, x_j, rbf], axis=-1)
    x = silu(x @ W_out + b_out)
    return x

if __name__ == "__main__":
    import jax
    _d = setup_inputs()
    print(jax.jit(kernel)(*tuple(_d.values())))

</pallas_src>

<mosaic_0001>
#map = affine_map<(d0, d1) -> (0, 0)>
#map1 = affine_map<(d0, d1) -> (0)>
module attributes {stable_mosaic.version = 14 : i64} {
  func.func @k(%arg0: i32, %arg1: i32, %arg2: memref<10000x128xf32, #tpu.memory_space<hbm>>, %arg3: memref<10000x128xf32, #tpu.memory_space<hbm>>, %arg4: memref<320000xi32, #tpu.memory_space<hbm>>, %arg5: memref<320000xi32, #tpu.memory_space<hbm>>, %arg6: memref<320000x128xf32, #tpu.memory_space<hbm>>, %arg7: memref<320000x128xf32, #tpu.memory_space<hbm>>, %arg8: memref<80xi32, #tpu.memory_space<vmem>>, %arg9: memref<80xi32, #tpu.memory_space<vmem>>, %arg10: memref<80x128xf32, #tpu.memory_space<vmem>>, %arg11: memref<80x128xf32, #tpu.memory_space<vmem>>, %arg12: memref<!tpu.dma_semaphore, #tpu.memory_space<semaphore_mem>>, %arg13: memref<!tpu.dma_semaphore, #tpu.memory_space<semaphore_mem>>) attributes {dimension_semantics = [#tpu.dimension_semantics<core_parallel>, #tpu.dimension_semantics<subcore_parallel>], iteration_bounds = array<i64: 2, 16>, scalar_prefetch = 0 : i64, scratch_operands = 6 : i64, tpu.core_type = #tpu.core_type<sc_vector_subcore>, window_params = [{transform_indices = #map}, {transform_indices = #map}, {transform_indices = #map1}, {transform_indices = #map1}, {transform_indices = #map}, {transform_indices = #map}]} {
    %mul3A = arith.constant 2 : i32
    %mul3A_0 = arith.muli %arg1, %mul3A : i32
    %add3A = arith.addi %mul3A_0, %arg0 : i32
    %scan3A = arith.constant 0 : i32
    %scan3A_1 = arith.constant 0 : i32
    %scan3A_2 = arith.constant 125 : i32
    %scan3A_3 = arith.addi %scan3A_1, %scan3A_2 : i32
    %scan3A_4 = arith.constant 1 : i32
    scf.for %scan3A_6 = %scan3A_1 to %scan3A_3 step %scan3A_4  : i32 {
      %mul3A_7 = arith.constant 10000 : i32
      %mul3A_8 = arith.muli %add3A, %mul3A_7 : i32
      %mul3A_9 = arith.constant 80 : i32
      %mul3A_10 = arith.muli %scan3A_6, %mul3A_9 : i32
      %add3A_11 = arith.addi %mul3A_8, %mul3A_10 : i32
      "tpu.region"() ({
        %run_scoped3A = tpu.sem_alloc : memref<!tpu.dma_semaphore, #tpu.memory_space<semaphore_mem>>
        %dma_start3A_22 = tpu.memref_slice %arg4[%add3A_11] : memref<320000xi32, #tpu.memory_space<hbm>> -> memref<80xi32, #tpu.memory_space<hbm>>
        %dma_start3A_23 = tpu.memref_slice %arg4[%add3A_11] : memref<320000xi32, #tpu.memory_space<hbm>> -> memref<80xi32, #tpu.memory_space<hbm>>
        tpu.enqueue_dma source(%dma_start3A_23 : memref<80xi32, #tpu.memory_space<hbm>>) target(%arg8 : memref<80xi32, #tpu.memory_space<vmem>>) target_semaphore(%run_scoped3A : memref<!tpu.dma_semaphore, #tpu.memory_space<semaphore_mem>>)
        %dma_wait3A_24 = tpu.memref_slice %arg4[%add3A_11] : memref<320000xi32, #tpu.memory_space<hbm>> -> memref<80xi32, #tpu.memory_space<hbm>>
        %dma_wait3A_25 = tpu.memref_slice %arg4[%add3A_11] : memref<320000xi32, #tpu.memory_space<hbm>> -> memref<80xi32, #tpu.memory_space<hbm>>
        tpu.wait_dma2 semaphore(%run_scoped3A : memref<!tpu.dma_semaphore, #tpu.memory_space<semaphore_mem>>) src(%dma_wait3A_25 : memref<80xi32, #tpu.memory_space<hbm>>) dst(%arg8 : memref<80xi32, #tpu.memory_space<vmem>>)
        tpu.yield
      }) : () -> ()
      "tpu.region"() ({
        %run_scoped3A = tpu.sem_alloc : memref<!tpu.dma_semaphore, #tpu.memory_space<semaphore_mem>>
        %dma_start3A_22 = tpu.memref_slice %arg5[%add3A_11] : memref<320000xi32, #tpu.memory_space<hbm>> -> memref<80xi32, #tpu.memory_space<hbm>>
        %dma_start3A_23 = tpu.memref_slice %arg5[%add3A_11] : memref<320000xi32, #tpu.memory_space<hbm>> -> memref<80xi32, #tpu.memory_space<hbm>>
        tpu.enqueue_dma source(%dma_start3A_23 : memref<80xi32, #tpu.memory_space<hbm>>) target(%arg9 : memref<80xi32, #tpu.memory_space<vmem>>) target_semaphore(%run_scoped3A : memref<!tpu.dma_semaphore, #tpu.memory_space<semaphore_mem>>)
        %dma_wait3A_24 = tpu.memref_slice %arg5[%add3A_11] : memref<320000xi32, #tpu.memory_space<hbm>> -> memref<80xi32, #tpu.memory_space<hbm>>
        %dma_wait3A_25 = tpu.memref_slice %arg5[%add3A_11] : memref<320000xi32, #tpu.memory_space<hbm>> -> memref<80xi32, #tpu.memory_space<hbm>>
        tpu.wait_dma2 semaphore(%run_scoped3A : memref<!tpu.dma_semaphore, #tpu.memory_space<semaphore_mem>>) src(%dma_wait3A_25 : memref<80xi32, #tpu.memory_space<hbm>>) dst(%arg9 : memref<80xi32, #tpu.memory_space<vmem>>)
        tpu.yield
      }) : () -> ()
      %dma_start3A = arith.constant 0 : i32
      %dma_start3A_12 = arith.constant 0 : i32
      %dma_start3A_13 = tpu.memref_slice %arg2[%dma_start3A, %dma_start3A_12] : memref<10000x128xf32, #tpu.memory_space<hbm>> -> memref<10000x128xf32, #tpu.memory_space<hbm>>
      tpu.enqueue_indirect_dma source(%dma_start3A_13 : memref<10000x128xf32, #tpu.memory_space<hbm>>) target(%arg10 : memref<80x128xf32, #tpu.memory_space<vmem>>) offsets(%arg8 : memref<80xi32, #tpu.memory_space<vmem>>) semaphore(%arg12 : memref<!tpu.dma_semaphore, #tpu.memory_space<semaphore_mem>>)
      %dma_start3A_14 = arith.constant 0 : i32
      %dma_start3A_15 = arith.constant 0 : i32
      %dma_start3A_16 = tpu.memref_slice %arg3[%dma_start3A_14, %dma_start3A_15] : memref<10000x128xf32, #tpu.memory_space<hbm>> -> memref<10000x128xf32, #tpu.memory_space<hbm>>
      tpu.enqueue_indirect_dma source(%dma_start3A_16 : memref<10000x128xf32, #tpu.memory_space<hbm>>) target(%arg11 : memref<80x128xf32, #tpu.memory_space<vmem>>) offsets(%arg9 : memref<80xi32, #tpu.memory_space<vmem>>) semaphore(%arg13 : memref<!tpu.dma_semaphore, #tpu.memory_space<semaphore_mem>>)
      %dma_wait3A = arith.constant 0 : i32
      %dma_wait3A_17 = arith.constant 0 : i32
      %dma_wait3A_18 = tpu.memref_slice %arg2[%dma_wait3A, %dma_wait3A_17] : memref<10000x128xf32, #tpu.memory_space<hbm>> -> memref<10000x128xf32, #tpu.memory_space<hbm>>
      tpu.wait_indirect_dma semaphore(%arg12 : memref<!tpu.dma_semaphore, #tpu.memory_space<semaphore_mem>>) src(%dma_wait3A_18 : memref<10000x128xf32, #tpu.memory_space<hbm>>) dst(%arg10 : memref<80x128xf32, #tpu.memory_space<vmem>>)
      %dma_wait3A_19 = arith.constant 0 : i32
      %dma_wait3A_20 = arith.constant 0 : i32
      %dma_wait3A_21 = tpu.memref_slice %arg3[%dma_wait3A_19, %dma_wait3A_20] : memref<10000x128xf32, #tpu.memory_space<hbm>> -> memref<10000x128xf32, #tpu.memory_space<hbm>>
      tpu.wait_indirect_dma semaphore(%arg13 : memref<!tpu.dma_semaphore, #tpu.memory_space<semaphore_mem>>) src(%dma_wait3A_21 : memref<10000x128xf32, #tpu.memory_space<hbm>>) dst(%arg11 : memref<80x128xf32, #tpu.memory_space<vmem>>)
      "tpu.region"() ({
        %run_scoped3A = tpu.sem_alloc : memref<!tpu.dma_semaphore, #tpu.memory_space<semaphore_mem>>
        %dma_start3A_22 = arith.constant 0 : i32
        %dma_start3A_23 = tpu.memref_slice %arg6[%add3A_11, %dma_start3A_22] : memref<320000x128xf32, #tpu.memory_space<hbm>> -> memref<80x128xf32, #tpu.memory_space<hbm>>
        %dma_start3A_24 = arith.constant 0 : i32
        %dma_start3A_25 = tpu.memref_slice %arg6[%add3A_11, %dma_start3A_24] : memref<320000x128xf32, #tpu.memory_space<hbm>> -> memref<80x128xf32, #tpu.memory_space<hbm>>
        tpu.enqueue_dma source(%arg10 : memref<80x128xf32, #tpu.memory_space<vmem>>) target(%dma_start3A_25 : memref<80x128xf32, #tpu.memory_space<hbm>>) target_semaphore(%run_scoped3A : memref<!tpu.dma_semaphore, #tpu.memory_space<semaphore_mem>>)
        %dma_wait3A_26 = arith.constant 0 : i32
        %dma_wait3A_27 = tpu.memref_slice %arg6[%add3A_11, %dma_wait3A_26] : memref<320000x128xf32, #tpu.memory_space<hbm>> -> memref<80x128xf32, #tpu.memory_space<hbm>>
        %dma_wait3A_28 = arith.constant 0 : i32
        %dma_wait3A_29 = tpu.memref_slice %arg6[%add3A_11, %dma_wait3A_28] : memref<320000x128xf32, #tpu.memory_space<hbm>> -> memref<80x128xf32, #tpu.memory_space<hbm>>
        tpu.wait_dma2 semaphore(%run_scoped3A : memref<!tpu.dma_semaphore, #tpu.memory_space<semaphore_mem>>) src(%arg10 : memref<80x128xf32, #tpu.memory_space<vmem>>) dst(%dma_wait3A_29 : memref<80x128xf32, #tpu.memory_space<hbm>>)
        tpu.yield
      }) : () -> ()
      "tpu.region"() ({
        %run_scoped3A = tpu.sem_alloc : memref<!tpu.dma_semaphore, #tpu.memory_space<semaphore_mem>>
        %dma_start3A_22 = arith.constant 0 : i32
        %dma_start3A_23 = tpu.memref_slice %arg7[%add3A_11, %dma_start3A_22] : memref<320000x128xf32, #tpu.memory_space<hbm>> -> memref<80x128xf32, #tpu.memory_space<hbm>>
        %dma_start3A_24 = arith.constant 0 : i32
        %dma_start3A_25 = tpu.memref_slice %arg7[%add3A_11, %dma_start3A_24] : memref<320000x128xf32, #tpu.memory_space<hbm>> -> memref<80x128xf32, #tpu.memory_space<hbm>>
        tpu.enqueue_dma source(%arg11 : memref<80x128xf32, #tpu.memory_space<vmem>>) target(%dma_start3A_25 : memref<80x128xf32, #tpu.memory_space<hbm>>) target_semaphore(%run_scoped3A : memref<!tpu.dma_semaphore, #tpu.memory_space<semaphore_mem>>)
        %dma_wait3A_26 = arith.constant 0 : i32
        %dma_wait3A_27 = tpu.memref_slice %arg7[%add3A_11, %dma_wait3A_26] : memref<320000x128xf32, #tpu.memory_space<hbm>> -> memref<80x128xf32, #tpu.memory_space<hbm>>
        %dma_wait3A_28 = arith.constant 0 : i32
        %dma_wait3A_29 = tpu.memref_slice %arg7[%add3A_11, %dma_wait3A_28] : memref<320000x128xf32, #tpu.memory_space<hbm>> -> memref<80x128xf32, #tpu.memory_space<hbm>>
        tpu.wait_dma2 semaphore(%run_scoped3A : memref<!tpu.dma_semaphore, #tpu.memory_space<semaphore_mem>>) src(%arg11 : memref<80x128xf32, #tpu.memory_space<vmem>>) dst(%dma_wait3A_29 : memref<80x128xf32, #tpu.memory_space<hbm>>)
        tpu.yield
      }) : () -> ()
    }
    %scan3A_5 = arith.constant 125 : i32
    return
  }
}

module attributes {stable_mosaic.version = 14 : i64} {
  func.func @_tables_body(%arg0: i32, %arg1: memref<1000x1xi32, #tpu.memory_space<vmem>>, %arg2: memref<128x128xf32, #tpu.memory_space<vmem>>, %arg3: memref<128x128xf32, #tpu.memory_space<vmem>>, %arg4: memref<128x128xf32, #tpu.memory_space<vmem>>, %arg5: memref<1x128xf32, #tpu.memory_space<vmem>>, %arg6: memref<1000x128xf32, #tpu.memory_space<vmem>>, %arg7: memref<1000x128xf32, #tpu.memory_space<vmem>>) attributes {dimension_semantics = [#tpu.dimension_semantics<arbitrary>], iteration_bounds = array<i64: 10>, scalar_prefetch = 0 : i64, scratch_operands = 0 : i64, tpu.core_type = #tpu.core_type<tc>, window_params = [{transform_indices = @transform_0, window_bounds = array<i64: 1000, 1>}, {pipeline_mode = #tpu.pipeline_mode<synchronous>, transform_indices = @transform_1, window_bounds = array<i64: 128, 128>}, {pipeline_mode = #tpu.pipeline_mode<synchronous>, transform_indices = @transform_2, window_bounds = array<i64: 128, 128>}, {pipeline_mode = #tpu.pipeline_mode<synchronous>, transform_indices = @transform_3, window_bounds = array<i64: 128, 128>}, {pipeline_mode = #tpu.pipeline_mode<synchronous>, transform_indices = @transform_4, window_bounds = array<i64: 1, 128>}, {transform_indices = @transform_5, window_bounds = array<i64: 1000, 128>}, {transform_indices = @transform_6, window_bounds = array<i64: 1000, 128>}]} {
    %get3A = arith.constant 0 : index
    %get3A_0 = arith.constant 0 : index
    %get3A_1 = vector.load %arg1[%get3A, %get3A_0] : memref<1000x1xi32, #tpu.memory_space<vmem>>, vector<1000x1xi32>
    %iota3A = tpu.iota {dimensions = array<i32: 1>} : vector<1000x128xi32>
    %eq3A = vector.broadcast %get3A_1 : vector<1000x1xi32> to vector<1000x128xi32>
    %eq3A_2 = arith.cmpi eq, %eq3A, %iota3A : vector<1000x128xi32>
    %convert_element_type3A = arith.extui %eq3A_2 : vector<1000x128xi1> to vector<1000x128xi32>
    %convert_element_type3A_3 = arith.sitofp %convert_element_type3A : vector<1000x128xi32> to vector<1000x128xf32>
    %get3A_4 = arith.constant 0 : index
    %get3A_5 = arith.constant 0 : index
    %get3A_6 = vector.load %arg2[%get3A_4, %get3A_5] : memref<128x128xf32, #tpu.memory_space<vmem>>, vector<128x128xf32>
    %dot_general3A = arith.constant dense<0.000000e+00> : vector<1000x128xf32>
    %dot_general3A_7 = tpu.matmul %convert_element_type3A_3, %get3A_6, %dot_general3A {dimension_numbers = #tpu.dot_dimension_numbers<[1], [0], [0], [1], [0, 0, 1, 1], [], []>, transpose_lhs_hint = false} : vector<1000x128xf32>, vector<128x128xf32>, vector<1000x128xf32> -> vector<1000x128xf32>
    %get3A_8 = arith.constant 0 : index
    %get3A_9 = arith.constant 0 : index
    %get3A_10 = vector.load %arg3[%get3A_8, %get3A_9] : memref<128x128xf32, #tpu.memory_space<vmem>>, vector<128x128xf32>
    %dot_general3A_11 = arith.constant dense<0.000000e+00> : vector<1000x128xf32>
    %dot_general3A_12 = tpu.matmul %dot_general3A_7, %get3A_10, %dot_general3A_11 {dimension_numbers = #tpu.dot_dimension_numbers<[1], [0], [0], [1], [0, 0, 1, 1], [], []>, transpose_lhs_hint = false} : vector<1000x128xf32>, vector<128x128xf32>, vector<1000x128xf32> -> vector<1000x128xf32>
    %get3A_13 = arith.constant 0 : index
    %get3A_14 = arith.constant 0 : index
    %get3A_15 = vector.load %arg5[%get3A_13, %get3A_14] : memref<1x128xf32, #tpu.memory_space<vmem>>, vector<1x128xf32>
    %add3A = vector.broadcast %get3A_15 : vector<1x128xf32> to vector<1000x128xf32>
    %add3A_16 = arith.addf %dot_general3A_12, %add3A : vector<1000x128xf32>
    %swap3A = arith.constant 0 : index
    %swap3A_17 = arith.constant 0 : index
    %swap3A_18 = vector.load %arg6[%swap3A, %swap3A_17] : memref<1000x128xf32, #tpu.memory_space<vmem>>, vector<1000x128xf32>
    tpu.vector_store %arg6[%swap3A, %swap3A_17], %add3A_16 {strides = array<i32>} : memref<1000x128xf32, #tpu.memory_space<vmem>>, vector<1000x128xf32>,
    %get3A_19 = arith.constant 0 : index
    %get3A_20 = arith.constant 0 : index
    %get3A_21 = vector.load %arg4[%get3A_19, %get3A_20] : memref<128x128xf32, #tpu.memory_space<vmem>>, vector<128x128xf32>
    %dot_general3A_22 = arith.constant dense<0.000000e+00> : vector<1000x128xf32>
    %dot_general3A_23 = tpu.matmul %dot_general3A_7, %get3A_21, %dot_general3A_22 {dimension_numbers = #tpu.dot_dimension_numbers<[1], [0], [0], [1], [0, 0, 1, 1], [], []>, transpose_lhs_hint = false} : vector<1000x128xf32>, vector<128x128xf32>, vector<1000x128xf32> -> vector<1000x128xf32>
    %swap3A_24 = arith.constant 0 : index
    %swap3A_25 = arith.constant 0 : index
    %swap3A_26 = vector.load %arg7[%swap3A_24, %swap3A_25] : memref<1000x128xf32, #tpu.memory_space<vmem>>, vector<1000x128xf32>
    tpu.vector_store %arg7[%swap3A_24, %swap3A_25], %dot_general3A_23 {strides = array<i32>} : memref<1000x128xf32, #tpu.memory_space<vmem>>, vector<1000x128xf32>,
    return
  }
  func.func @transform_0(%arg0: i32) -> (i32, i32) {
    %c0_i32 = arith.constant 0 : i32
    %c0_i32_0 = arith.constant 0 : i32
    return %arg0, %c0_i32 : i32, i32
  }
  func.func @transform_1(%arg0: i32) -> (i32, i32) {
    %c0_i32 = arith.constant 0 : i32
    %c0_i32_0 = arith.constant 0 : i32
    %c0_i32_1 = arith.constant 0 : i32
    return %c0_i32, %c0_i32_0 : i32, i32
  }
  func.func @transform_2(%arg0: i32) -> (i32, i32) {
    %c0_i32 = arith.constant 0 : i32
    %c0_i32_0 = arith.constant 0 : i32
    %c0_i32_1 = arith.constant 0 : i32
    return %c0_i32, %c0_i32_0 : i32, i32
  }
  func.func @transform_3(%arg0: i32) -> (i32, i32) {
    %c0_i32 = arith.constant 0 : i32
    %c0_i32_0 = arith.constant 0 : i32
    %c0_i32_1 = arith.constant 0 : i32
    return %c0_i32, %c0_i32_0 : i32, i32
  }
  func.func @transform_4(%arg0: i32) -> (i32, i32) {
    %c0_i32 = arith.constant 0 : i32
    %c0_i32_0 = arith.constant 0 : i32
    %c0_i32_1 = arith.constant 0 : i32
    return %c0_i32, %c0_i32_0 : i32, i32
  }
  func.func @transform_5(%arg0: i32) -> (i32, i32) {
    %c0_i32 = arith.constant 0 : i32
    %c0_i32_0 = arith.constant 0 : i32
    return %arg0, %c0_i32 : i32, i32
  }
  func.func @transform_6(%arg0: i32) -> (i32, i32) {
    %c0_i32 = arith.constant 0 : i32
    %c0_i32_0 = arith.constant 0 : i32
    return %arg0, %c0_i32 : i32, i32
  }
}

module attributes {stable_mosaic.version = 14 : i64} {
  func.func @_main_body(%arg0: i32, %arg1: memref<4000x128xf32, #tpu.memory_space<vmem>>, %arg2: memref<4000x128xf32, #tpu.memory_space<vmem>>, %arg3: memref<4000x8xf32, #tpu.memory_space<vmem>>, %arg4: memref<8x128xf32, #tpu.memory_space<vmem>>, %arg5: memref<1x128xf32, #tpu.memory_space<vmem>>, %arg6: memref<128x128xf32, #tpu.memory_space<vmem>>, %arg7: memref<4000x128xf32, #tpu.memory_space<vmem>>) attributes {dimension_semantics = [#tpu.dimension_semantics<arbitrary>], iteration_bounds = array<i64: 80>, scalar_prefetch = 0 : i64, scratch_operands = 0 : i64, tpu.core_type = #tpu.core_type<tc>, window_params = [{transform_indices = @transform_0, window_bounds = array<i64: 4000, 128>}, {transform_indices = @transform_1, window_bounds = array<i64: 4000, 128>}, {transform_indices = @transform_2, window_bounds = array<i64: 4000, 8>}, {pipeline_mode = #tpu.pipeline_mode<synchronous>, transform_indices = @transform_3, window_bounds = array<i64: 8, 128>}, {pipeline_mode = #tpu.pipeline_mode<synchronous>, transform_indices = @transform_4, window_bounds = array<i64: 1, 128>}, {pipeline_mode = #tpu.pipeline_mode<synchronous>, transform_indices = @transform_5, window_bounds = array<i64: 128, 128>}, {transform_indices = @transform_6, window_bounds = array<i64: 4000, 128>}]} {
    %get3A = arith.constant 0 : index
    %get3A_0 = arith.constant 0 : index
    %get3A_1 = vector.load %arg3[%get3A, %get3A_0] : memref<4000x8xf32, #tpu.memory_space<vmem>>, vector<4000x8xf32>
    %get3A_2 = arith.constant 0 : index
    %get3A_3 = arith.constant 0 : index
    %get3A_4 = vector.load %arg4[%get3A_2, %get3A_3] : memref<8x128xf32, #tpu.memory_space<vmem>>, vector<8x128xf32>
    %dot_general3A = arith.constant dense<0.000000e+00> : vector<4000x128xf32>
    %dot_general3A_5 = tpu.matmul %get3A_1, %get3A_4, %dot_general3A {dimension_numbers = #tpu.dot_dimension_numbers<[1], [0], [0], [1], [0, 0, 1, 1], [], []>, transpose_lhs_hint = false} : vector<4000x8xf32>, vector<8x128xf32>, vector<4000x128xf32> -> vector<4000x128xf32>
    %get3A_6 = arith.constant 0 : index
    %get3A_7 = arith.constant 0 : index
    %get3A_8 = vector.load %arg5[%get3A_6, %get3A_7] : memref<1x128xf32, #tpu.memory_space<vmem>>, vector<1x128xf32>
    %add3A = vector.broadcast %get3A_8 : vector<1x128xf32> to vector<4000x128xf32>
    %add3A_9 = arith.addf %dot_general3A_5, %add3A : vector<4000x128xf32>
    %logistic3A = arith.negf %add3A_9 : vector<4000x128xf32>
    %logistic3A_10 = math.exp %logistic3A : vector<4000x128xf32>
    %logistic3A_11 = arith.constant 1.000000e+00 : f32
    %logistic3A_12 = vector.broadcast %logistic3A_11 : f32 to vector<4000x128xf32>
    %logistic3A_13 = arith.addf %logistic3A_12, %logistic3A_10 : vector<4000x128xf32>
    %logistic3A_14 = arith.divf %logistic3A_12, %logistic3A_13 : vector<4000x128xf32>
    %mul3A = arith.mulf %add3A_9, %logistic3A_14 : vector<4000x128xf32>
    %logistic3A_15 = arith.negf %mul3A : vector<4000x128xf32>
    %logistic3A_16 = math.exp %logistic3A_15 : vector<4000x128xf32>
    %logistic3A_17 = arith.constant 1.000000e+00 : f32
    %logistic3A_18 = vector.broadcast %logistic3A_17 : f32 to vector<4000x128xf32>
    %logistic3A_19 = arith.addf %logistic3A_18, %logistic3A_16 : vector<4000x128xf32>
    %logistic3A_20 = arith.divf %logistic3A_18, %logistic3A_19 : vector<4000x128xf32>
    %mul3A_21 = arith.mulf %mul3A, %logistic3A_20 : vector<4000x128xf32>
    %get3A_22 = arith.constant 0 : index
    %get3A_23 = arith.constant 0 : index
    %get3A_24 = vector.load %arg6[%get3A_22, %get3A_23] : memref<128x128xf32, #tpu.memory_space<vmem>>, vector<128x128xf32>
    %dot_general3A_25 = arith.constant dense<0.000000e+00> : vector<4000x128xf32>
    %dot_general3A_26 = tpu.matmul %mul3A_21, %get3A_24, %dot_general3A_25 {dimension_numbers = #tpu.dot_dimension_numbers<[1], [0], [0], [1], [0, 0, 1, 1], [], []>, transpose_lhs_hint = false} : vector<4000x128xf32>, vector<128x128xf32>, vector<4000x128xf32> -> vector<4000x128xf32>
    %get3A_27 = arith.constant 0 : index
    %get3A_28 = arith.constant 0 : index
    %get3A_29 = vector.load %arg1[%get3A_27, %get3A_28] : memref<4000x128xf32, #tpu.memory_space<vmem>>, vector<4000x128xf32>
    %add3A_30 = arith.addf %dot_general3A_26, %get3A_29 : vector<4000x128xf32>
    %get3A_31 = arith.constant 0 : index
    %get3A_32 = arith.constant 0 : index
    %get3A_33 = vector.load %arg2[%get3A_31, %get3A_32] : memref<4000x128xf32, #tpu.memory_space<vmem>>, vector<4000x128xf32>
    %add3A_34 = arith.addf %add3A_30, %get3A_33 : vector<4000x128xf32>
    %logistic3A_35 = arith.negf %add3A_34 : vector<4000x128xf32>
    %logistic3A_36 = math.exp %logistic3A_35 : vector<4000x128xf32>
    %logistic3A_37 = arith.constant 1.000000e+00 : f32
    %logistic3A_38 = vector.broadcast %logistic3A_37 : f32 to vector<4000x128xf32>
    %logistic3A_39 = arith.addf %logistic3A_38, %logistic3A_36 : vector<4000x128xf32>
    %logistic3A_40 = arith.divf %logistic3A_38, %logistic3A_39 : vector<4000x128xf32>
    %mul3A_41 = arith.mulf %add3A_34, %logistic3A_40 : vector<4000x128xf32>
    %swap3A = arith.constant 0 : index
    %swap3A_42 = arith.constant 0 : index
    %swap3A_43 = vector.load %arg7[%swap3A, %swap3A_42] : memref<4000x128xf32, #tpu.memory_space<vmem>>, vector<4000x128xf32>
    tpu.vector_store %arg7[%swap3A, %swap3A_42], %mul3A_41 {strides = array<i32>} : memref<4000x128xf32, #tpu.memory_space<vmem>>, vector<4000x128xf32>,
    return
  }
  func.func @transform_0(%arg0: i32) -> (i32, i32) {
    %c0_i32 = arith.constant 0 : i32
    %c0_i32_0 = arith.constant 0 : i32
    return %arg0, %c0_i32 : i32, i32
  }
  func.func @transform_1(%arg0: i32) -> (i32, i32) {
    %c0_i32 = arith.constant 0 : i32
    %c0_i32_0 = arith.constant 0 : i32
    return %arg0, %c0_i32 : i32, i32
  }
  func.func @transform_2(%arg0: i32) -> (i32, i32) {
    %c0_i32 = arith.constant 0 : i32
    %c0_i32_0 = arith.constant 0 : i32
    return %arg0, %c0_i32 : i32, i32
  }
  func.func @transform_3(%arg0: i32) -> (i32, i32) {
    %c0_i32 = arith.constant 0 : i32
    %c0_i32_0 = arith.constant 0 : i32
    %c0_i32_1 = arith.constant 0 : i32
    return %c0_i32, %c0_i32_0 : i32, i32
  }
  func.func @transform_4(%arg0: i32) -> (i32, i32) {
    %c0_i32 = arith.constant 0 : i32
    %c0_i32_0 = arith.constant 0 : i32
    %c0_i32_1 = arith.constant 0 : i32
    return %c0_i32, %c0_i32_0 : i32, i32
  }
  func.func @transform_5(%arg0: i32) -> (i32, i32) {
    %c0_i32 = arith.constant 0 : i32
    %c0_i32_0 = arith.constant 0 : i32
    %c0_i32_1 = arith.constant 0 : i32
    return %c0_i32, %c0_i32_0 : i32, i32
  }
  func.func @transform_6(%arg0: i32) -> (i32, i32) {
    %c0_i32 = arith.constant 0 : i32
    %c0_i32_0 = arith.constant 0 : i32
    return %arg0, %c0_i32 : i32, i32
  }
}

</mosaic_0001>

<sc_bundles>
// kernel: kernel.5.cloned.1.call-start
scs
__scs_entry_jumppad:
0x0: {  	(pc) =	sbr.rel $0x88, $3  }
0x1: {  	(tag) =	ssettag $0x0;
	lr =	simm.s32 $0x1  }
0x2: {  	[smem:$0x3F99] =	sst lr;
	_ =	strace $0xD0000000  }
0x3: {  	_ = 	snop  }
0x4: {  	_ = 	snop  }
0x5: {  	_ = 	snop  }
0x6: {  	_ = 	snop  }
0x7: {  	_ = 	snop  }
__scs_overlays_trampoline_lowered:
0x8: {  	[smem:$0x3FA8] =	sst s0  }
0x9: {  	[smem:$0x3FA9] =	sst s1  }
0xa: {  	[smem:$0x3FAA] =	sst s2  }
0xb: {  	[smem:$0x3FAB] =	sst s3  }
0xc: {  	[smem:$0x3FAC] =	sst s4  }
0xd: {  	[smem:$0x3FAD] =	sst s5  }
0xe: {  	[smem:$0x3FAE] =	sst s6  }
0xf: {  	[smem:$0x3FAF] =	sst s7  }
0x10: {  	[smem:$0x3FB0] =	sst s8  }
0x11: {  	[smem:$0x3FB1] =	sst s9;
	s0 =	simm.s32 @!p0 $0x0  }
0x12: {  	s1 =	sld [smem:$0x3F97];
	s0 =	simm.s32 @p0 $0x1  }
0x13: {  	[smem:$0x3FB2] =	sst s0;
	s0 =	simm.s32 @!p1 $0x0  }
0x14: {  	s2 =	sld [smem:$0x3F96];
	s0 =	simm.s32 @p1 $0x1  }
0x15: {  	[smem:$0x3FB3] =	sst s0;
	s0 =	simm.s32 @!p2 $0x0  }
0x16: {  	s3 =	sld [smem:$0x3FDB];
	s0 =	simm.s32 @p2 $0x1  }
0x17: {  	s4 =	simm.s32 $0x1BF5;
	[smem:$0x3FB5] =	sst s0  }
0x18: {  	s0 =	sld [smem:$0x3F98];
	_ =	swait.ge [sflag:s4], $0x0  }
0x19: {  	s7 =	sld [smem:$0x3F99]  }
0x1a: {  	s8 =	sadd.s32 $0xFFFFE003, lr  }
0x1b: {  	s9 =	sadd.s32 $0xFFFFFEF7, lr;
	s5 =	simm.s32 $0xFFFFFFFF;
	p2 =	slt.u32 s8, $0xFFFFF086  }
0x1c: {  	p1 =	slt.u32 s9, $0xF7A;
	s5 =	simm.s32 @!p2 $0x0  }
0x1d: {  	s5 =	simm.s32 @p1 $0x1;
	p0 =	seq.s32 s7, s2  }
0x1e: {  	s7 =	smul.u32 @!p0 $0xF7A, s2;
	p2 =	seq.s32 @!p0 s5, $0x0  }
0x1f: {  	s9 =	smul.u32 $0xF7A, s1;
	s8 =	simm.s32 @!p0 $0x1BF5;
	p2 =	por !p2, p0  }
0x20: {  	[sflag:s8] =	ssyncset.s32 @!p0 $0xFFFFF086;
	s6 =	sadd.s32 @!p0 s3, s7;
	s7 =	simm.s32 @!p0 $0x108  }
0x21: {  	s3 =	sadd.s32 s3, s9;
	s6 =	sadd.s32 @!p0 $0x88, s6;
	s7 =	simm.s32 @p2 $0x1082  }
0x22: {  	[simem:s7], [sflag:s8] =	dma.local @!p0 [hbm:s6], $0xF7A  }
0x23: {  	s9 =	sor.u32 $0xD0000000, s2;
	s6 =	simm.s32 $0x108;
	_ =	swait.ge @!p0 [sflag:s8], $0x0  }
0x24: {  	s3 =	sadd.s32 $0x88, s3;
	s6 =	simm.s32 @!p1 $0x1082;
	[sflag:s4] =	ssyncset.s32 $0xFFFFF086  }
0x25: {  	[simem:s6], [sflag:s4] =	dma.local [hbm:s3], $0xF7A  }
0x26: {  	[smem:$0x3F99] =	sst s1;
	(tag) =	ssettag s2;
	_ =	strace s9  }
0x27: {  	s1 =	sld [smem:$0x3FA9]  }
0x28: {  	s2 =	sld [smem:$0x3FAA]  }
0x29: {  	s4 =	sld [smem:$0x3FAC]  }
0x2a: {  	p0 =	seq.s32 s5, $0x0;
	s5 =	sld [smem:$0x3FAD]  }
0x2b: {  	s6 =	sld [smem:$0x3FAE]  }
0x2c: {  	s7 =	sld [smem:$0x3FAF]  }
0x2d: {  	s3 =	simm.s32 $0x108;
	s8 =	sld [smem:$0x3FB0]  }
0x2e: {  	s3 =	simm.s32 @!p0 $0x1082;
	s9 =	sld [smem:$0x3FB1]  }
0x2f: {  	lr =	sadd.s32 s0, s3;
	s0 =	sld [smem:$0x3FA8]  }
0x30: {  	s3 =	sld [smem:$0x3FAB]  }
0x31: {  	[smem:$0x3FB4] =	sst s10  }
0x32: {  	s10 =	sld [smem:$0x3FB2];
	_ =	sdelay $0x3  }
0x33: {  	p0 =	seq.s32 s10, $0x1;
	s10 =	sld [smem:$0x3FB4];
	_ =	sdelay $0x3  }
0x34: {  	[smem:$0x3FB4] =	sst s10  }
0x35: {  	s10 =	sld [smem:$0x3FB3];
	_ =	sdelay $0x3  }
0x36: {  	p1 =	seq.s32 s10, $0x1;
	s10 =	sld [smem:$0x3FB4];
	_ =	sdelay $0x3  }
0x37: {  	[smem:$0x3FB4] =	sst s10  }
0x38: {  	s10 =	sld [smem:$0x3FB5]  }
0x39: {  	_ = 	snop;
	(pc) =	sbr.ind lr, $3  }
0x3a: {  	_ = 	snop  }
0x3b: {  	_ = 	snop  }
0x3c: {  	p2 =	seq.s32 s10, $0x1;
	s10 =	sld [smem:$0x3FB4]  }
0x3d: {  	_ =	shalt  }
0x3e: {  	_ =	shalt  }
0x3f: {  	_ =	shalt  }
0x40: {  	_ =	shalt  }
0x41: {  	_ =	shalt  }
0x42: {  	_ =	shalt  }
0x43: {  	_ =	shalt  }
0x44: {  	_ =	shalt  }
0x45: {  	_ =	shalt  }
0x46: {  	_ =	shalt  }
0x47: {  	_ =	shalt  }
0x48: {  	_ =	shalt  }
0x49: {  	_ =	shalt  }
0x4a: {  	_ =	shalt  }
0x4b: {  	_ =	shalt  }
0x4c: {  	_ =	shalt  }
0x4d: {  	_ =	shalt  }
0x4e: {  	_ =	shalt  }
0x4f: {  	_ =	shalt  }
0x50: {  	_ =	shalt  }
0x51: {  	_ =	shalt  }
0x52: {  	_ =	shalt  }
0x53: {  	_ =	shalt  }
0x54: {  	_ =	shalt  }
0x55: {  	_ =	shalt  }
0x56: {  	_ =	shalt  }
0x57: {  	_ =	shalt  }
0x58: {  	_ =	shalt  }
0x59: {  	_ =	shalt  }
0x5a: {  	_ =	shalt  }
0x5b: {  	_ =	shalt  }
0x5c: {  	_ =	shalt  }
0x5d: {  	_ =	shalt  }
0x5e: {  	_ =	shalt  }
0x5f: {  	_ =	shalt  }
0x60: {  	_ =	shalt  }
0x61: {  	_ =	shalt  }
0x62: {  	_ =	shalt  }
0x63: {  	_ =	shalt  }
0x64: {  	_ =	shalt  }
0x65: {  	_ =	shalt  }
0x66: {  	_ =	shalt  }
0x67: {  	_ =	shalt  }
0x68: {  	_ =	shalt  }
0x69: {  	_ =	shalt  }
0x6a: {  	_ =	shalt  }
0x6b: {  	_ =	shalt  }
0x6c: {  	_ =	shalt  }
0x6d: {  	_ =	shalt  }
0x6e: {  	_ =	shalt  }
0x6f: {  	_ =	shalt  }
0x70: {  	_ =	shalt  }
0x71: {  	_ =	shalt  }
0x72: {  	_ =	shalt  }
0x73: {  	_ =	shalt  }
0x74: {  	_ =	shalt  }
0x75: {  	_ =	shalt  }
0x76: {  	_ =	shalt  }
0x77: {  	_ =	shalt  }
0x78: {  	_ =	shalt  }
0x79: {  	_ =	shalt  }
0x7a: {  	_ =	shalt  }
0x7b: {  	_ =	shalt  }
0x7c: {  	_ =	shalt  }
0x7d: {  	_ =	shalt  }
0x7e: {  	_ =	shalt  }
0x7f: {  	_ =	shalt  }
0x80: {  	_ =	shalt  }
0x81: {  	_ =	shalt  }
0x82: {  	_ =	shalt  }
0x83: {  	_ =	shalt  }
0x84: {  	_ =	shalt  }
0x85: {  	_ =	shalt  }
0x86: {  	_ =	shalt  }
0x87: {  	_ =	shalt  }
.Lfunc_end0:
.L_simem_size_0:
called_computation_lowered:
.L_overlay_start_0:
0x88: {  	s2 =	sld [smem:$0x3FD9]  }
0x89: {  	s3 =	sld [smem:$0x3FFE];
	_ =	sdelay $0x1  }
0x8a: {  	s1 =	srdreg.scid  }
0x8b: {  	s0 =	sand.u32 $0x1, s1  }
0x8c: {  	s16 =	sshll.u32 s0, $0xA;
	s2 =	sadd.s32 s3, s2  }
0x8d: {  	s2 =	sadd.s32 s2, s16  }
0x8e: {  	[smem:$0x3FC0] =	sst s2  }
0x8f: {  	_ = 	snop  }
0x90: {  	(tm) =	ssettm $0x1  }
0x91: {  	s17 =	sld [smem:$0x3FFB];
	_ =	sdelay $0x3  }
0x92: {  	_ =	strace s17  }
0x93: {  	s2 =	sld [smem:$0x3FFC];
	_ =	sdelay $0x3  }
0x94: {  	_ =	strace s2  }
0x95: {  	s2 =	sld [smem:$0x3FFD];
	_ =	sdelay $0x3  }
0x96: {  	_ =	strace s2  }
0x97: {  	_ =	strace $0x8FFFFFFF  }
0x98: {  	s18 =	sld [smem:$0x3FDB];
	_ =	sdelay $0x1  }
0x99: {  	s19 =	simm.s32 $_scs_section_size  }
0x9a: {  	s4 =	simm.s32 $_size__tile_overlayer_lowered;
	s5 =	simm.s32 $_tile_overlayer_lowered  }
0x9b: {  	s22 =	simm.s32 $0x1BFF;
	s21 =	sshll.u32 s5, $0x1;
	s2 =	sadd.s32 s19, s18  }
0x9c: {  	s6 =	simm.s32 $0x0;
	s20 =	sshll.u32 s4, $0x1;
	s4 =	sadd.s32 s21, s2  }
0x9d: {  	[timem:s6], [sflag:s22] =	dma.local [hbm:s4], s20  }
0x9e: {  	_ =	swait.ge [sflag:s22], s20  }
0x9f: {  	s3 =	ssub.s32 $0x0, s20;
	[sflag:s22] =	ssyncset.done $0x0  }
0xa0: {  	[sflag:s22] =	ssyncadd.s32 s3;
	_ =	sdelay $0x1  }
0xa1: {  	s23 =	simm.s32 $0x1B8B  }
0xa2: {  	_ =	swait.ge [sflag:s23], $0x1  }
0xa3: {  	[sflag:s23] =	ssyncset.done $0x0  }
0xa4: {  	s25 =	simm.s32 $0x1B8E;
	s24 =	sld [smem:$0x3FFE];
	[sflag:s23] =	ssyncadd.s32 $0xFFFFFFFF  }
0xa5: {  	s26 =	simm.s32 $execute0_lowered;
	[smem:$0x3FD2] =	sst s25  }
0xa6: {  	s4 =	sshll.u32 s26, $0x1;
	_ =	strace $0x80000046;
	[dreg:$0x1] =	wrdreg $0xFFFFFFFF  }
0xa7: {  	s28 =	simm.s32 $_size_execute0_lowered;
	s2 =	sadd.s32 s2, s4;
	[dreg:$0x0] =	wrdreg $0x0  }
0xa8: {  	s4 =	sshll.u32 s28, $0x1;
	[dreg:$0x2] =	wrdreg s2  }
0xa9: {  	[dreg:$0x3] =	wrdreg s4  }
0xaa: {  	[dreg:$0x4] =	wrdreg $0xC0  }
0xab: {  	_ =	task [dreg:s6], $0x5FFFF  }
0xac: {  	[dreg:$0x1] =	wrdreg $0xFFFFFFFF  }
0xad: {  	[dreg:$0x0] =	wrdreg $0x60  }
0xae: {  	[dreg:$0x2] =	wrdreg s24  }
0xaf: {  	[dreg:$0x3] =	wrdreg $0x9  }
0xb0: {  	_ =	task.clear_ibuf [dreg:s6], $0x4FFFF;
	_ =	strace $0x90000046  }
0xb1: {  	s29 =	simm.s32 $0x9;
	_ =	strace $0x80000048  }
0xb2: {  	_ =	swait.ge [sflag:s29], $0x1  }
0xb3: {  	[sflag:s29] =	ssyncadd.s32 $0xFFFFFFFF  }
0xb4: {  	_ =	strace $0x90000048  }
0xb5: {  	_ =	sfence  }
0xb6: {  	s30 =	sld [smem:$0x0];
	_ =	sdelay $0x2  }
0xb7: {  	s31 =	sshll.u32 s1, $0xD;
	s1 =	sshrl.u32 s1, $0x2  }
0xb8: {  	s3 =	sand.u32 $0x4000, s31;
	s1 =	sadd.s32 s1, s30  }
0xb9: {  	s0 =	sor.u32 s3, s0;
	s1 =	sshll.u32 s1, $0x11  }
0xba: {  	s0 =	sor.u32 s1, s0  }
0xbb: {  	s0 =	sadd.s32 $0x8F2B, s0  }
0xbc: {  	[sflag:s0] =	ssyncadd.remote.s32 $0x1  }
0xbd: {  	_ =	sfence.sel $0xFFFF  }
0xbe: {  	[dreg:$0x0] =	wrdreg $0xFFFFFFFF;
	(pc) =	sbr.abs _section_cstart, $3  }
0xbf: {  	[dreg:$0x1] =	wrdreg $0xFFFFFFFF  }
0xc0: {  	_ =	task.clear_ibuf [dreg:s6], $0x2FFFF;
	_ =	strace $0x9FFFFFFF  }
0xc1: {  	(tm) =	ssettm $0x7FFFFFFF  }
tec
execute0_lowered:
.L_overlay_start_1:
0x0: {  	(tag) =	ssettag $0x1  }
0x1: {  	s5 =	rddreg [dreg:$0x0]  }
0x2: {  	s0 =	rddreg [dreg:$0x1]  }
0x3: {  	s2 =	simm.s32 $0x0;
	s3 =	srdreg.scid;
	s1 =	stileid.u32  }
0x4: {  	s11 =	simm.s32 $0x80;
	s12 =	simm.s32 $0x50;
	s13 =	simm.s32 $0x100  }
0x5: {  	s14 =	simm.s32 $0x2900;
	s15 =	simm.s32 $0x1;
	s16 =	simm.s32 $0x2  }
0x6: {  	s17 =	simm.s32 $0x0;
	[smem:$0x7FF] =	sst s2;
	s7 =	smul.u32 $0x4E20, s1  }
0x7: {  	s6 =	sand.u32 $0x1, s3;
	s3 =	sadd.s32 $0x16400, s5;
	s9 =	smul.u32 $0x4E200, s1  }
0x8: {  	s4 =	sadd.s32 $0x3D600, s5;
	s8 =	smul.u32 $0x2710, s6;
	s10 =	ssub.s32 $0x2, s6  }
0x9: {  	_ =	strace $0x80000047;
	s6 =	smul.u32 $0x27100, s6;
	s29 =	sshrl.u32 s10, $0x1  }
0xa: {  	s9 =	sadd.s32 s9, s5;
	s7 =	sadd.s32 s8, s7;
	s8 =	ssub.s32 s10, s29  }
0xb: {  	s31 =	sadd.s32 s6, s9;
	s10 =	simm.s32 $0x3;
	s7 =	sshrl.u32 s7, $0x3  }
0xc: {  	s6 =	sadd.s32 $0x64800, s31;
	s30 =	sadd.s32 s7, s5;
	s5 =	smax.u32 s8, $0x1  }
0xd: {  	s7 =	sadd.s32 $0x546800, s31;
	s8 =	sadd.s32 $0x2800, s30;
	s9 =	sadd.s32 $0xC600, s30  }
.LBB2_1:
0xe: {  	s18 =	sadd.s32 $0x0, s9  }
0xf: {  	[tilespmem:s2], [sflag:$0x3] =	stream.linear.gather [hbm4b:s18+s2], $0x50, $0x38;
	[tilespmem:$0x5100] =	vst v63  }
0x10: {  	_ =	swait.ge [sflag:s10], $0x50  }
0x11: {  	[sflag:s10] =	ssyncset.done $0x0  }
0x12: {  	s31 =	sadd.s32 $0x0, s8;
	[sflag:s10] =	ssyncadd.s32 $0xFFFFFFB0  }
0x13: {  	[tilespmem:s11], [sflag:$0x3] =	stream.linear.gather [hbm4b:s31+s2], $0x50, $0x38;
	[tilespmem:$0x5100] =	vst v63  }
0x14: {  	_ =	swait.ge [sflag:s10], $0x50  }
0x15: {  	[sflag:s10] =	ssyncset.done $0x0  }
0x16: {  	[sflag:s10] =	ssyncadd.s32 $0xFFFFFFB0  }
0x17: {  	[tilespmem:s13], [sflag:$0x1] =	stream.indirect.gather [hbm4b:s3+s12], $0x80, s2, s12, $0xb8;
	[tilespmem:$0x5100] =	vst v63  }
0x18: {  	_ = 	snop  }
0x19: {  	[tilespmem:s14], [sflag:$0x2] =	stream.indirect.gather [hbm4b:s4+s12], $0x80, s11, s12, $0xb8;
	[tilespmem:$0x5100] =	vst v63  }
0x1a: {  	_ =	swait.ge [sflag:s15], $0x2800  }
0x1b: {  	[sflag:s15] =	ssyncset.done $0x0  }
0x1c: {  	[sflag:s15] =	ssyncadd.s32 $0xFFFFD800  }
0x1d: {  	_ =	swait.ge [sflag:s16], $0x2800  }
0x1e: {  	[sflag:s16] =	ssyncset.done $0x0  }
0x1f: {  	[sflag:s16] =	ssyncadd.s32 $0xFFFFD800  }
0x20: {  	[hbm4b:s6+s2] =	stream.linear.scatter [tilespmem:s13], [sflag:$0x3], $0x2800, $0x38;
	[tilespmem:$0x5100] =	vst v63  }
0x21: {  	_ =	swait.ge [sflag:s10], $0x2800  }
0x22: {  	[sflag:s10] =	ssyncset.done $0x0  }
0x23: {  	[sflag:s10] =	ssyncadd.s32 $0xFFFFD800  }
0x24: {  	[hbm4b:s7+s2] =	stream.linear.scatter [tilespmem:s14], [sflag:$0x3], $0x2800, $0x38;
	[tilespmem:$0x5100] =	vst v63  }
0x25: {  	s20 =	simm.s32 $0xA;
	s21 =	simm.s32 $0x14;
	_ =	swait.ge [sflag:s10], $0x2800  }
0x26: {  	s19 =	sadd.s32 $0x500, s6;
	s18 =	sadd.s32 $0x500, s7;
	[sflag:s10] =	ssyncset.done $0x0  }
.LBB2_2:
0x27: {  	s22 =	sadd.s32 s20, s9  }
0x28: {  	[sflag:s10] =	ssyncadd.s32 $0xFFFFD800;
	s23 =	smov.u32 s21;
	s24 =	sadd.s32 $0xA, s21  }
0x29: {  	[tilespmem:s2], [sflag:$0x3] =	stream.linear.gather [hbm4b:s22+s2], $0x50, $0x38;
	[tilespmem:$0x5100] =	vst v63  }
0x2a: {  	p0 =	sne.s32 s21, $0x4D8;
	_ =	swait.ge [sflag:s10], $0x50  }
0x2b: {  	[sflag:s10] =	ssyncset.done $0x0  }
0x2c: {  	s21 =	sadd.s32 s20, s8;
	s20 =	smov.u32 s23;
	[sflag:s10] =	ssyncadd.s32 $0xFFFFFFB0  }
0x2d: {  	[tilespmem:s11], [sflag:$0x3] =	stream.linear.gather [hbm4b:s21+s2], $0x50, $0x38;
	[tilespmem:$0x5100] =	vst v63  }
0x2e: {  	_ =	swait.ge [sflag:s10], $0x50  }
0x2f: {  	[sflag:s10] =	ssyncset.done $0x0  }
0x30: {  	[sflag:s10] =	ssyncadd.s32 $0xFFFFFFB0  }
0x31: {  	[tilespmem:s13], [sflag:$0x1] =	stream.indirect.gather [hbm4b:s3+s12], $0x80, s2, s12, $0xb8;
	[tilespmem:$0x5100] =	vst v63  }
0x32: {  	_ = 	snop  }
0x33: {  	[tilespmem:s14], [sflag:$0x2] =	stream.indirect.gather [hbm4b:s4+s12], $0x80, s11, s12, $0xb8;
	[tilespmem:$0x5100] =	vst v63  }
0x34: {  	_ =	swait.ge [sflag:s15], $0x2800  }
0x35: {  	[sflag:s15] =	ssyncset.done $0x0  }
0x36: {  	[sflag:s15] =	ssyncadd.s32 $0xFFFFD800  }
0x37: {  	_ =	swait.ge [sflag:s16], $0x2800  }
0x38: {  	[sflag:s16] =	ssyncset.done $0x0  }
0x39: {  	[sflag:s16] =	ssyncadd.s32 $0xFFFFD800  }
0x3a: {  	[hbm4b:s19+s2] =	stream.linear.scatter [tilespmem:s13], [sflag:$0x3], $0x2800, $0x38;
	[tilespmem:$0x5100] =	vst v63  }
0x3b: {  	_ =	swait.ge [sflag:s10], $0x2800  }
.Ltmp0:
0x3c: {  	[sflag:s10] =	ssyncset.done $0x0;
	(pc) =	sbr.rel @p0 .LBB2_2-.Ltmp0, $4  }
0x3d: {  	[sflag:s10] =	ssyncadd.s32 $0xFFFFD800  }
0x3e: {  	[hbm4b:s18+s2] =	stream.linear.scatter [tilespmem:s14], [sflag:$0x3], $0x2800, $0x38;
	[tilespmem:$0x5100] =	vst v63  }
0x3f: {  	s21 =	smov.u32 s24;
	_ =	swait.ge [sflag:s10], $0x2800  }
0x40: {  	s19 =	sadd.s32 $0x500, s19;
	s18 =	sadd.s32 $0x500, s18;
	[sflag:s10] =	ssyncset.done $0x0  }
0x41: {  	s21 =	sadd.s32 s20, s9;
	[sflag:s10] =	ssyncadd.s32 $0xFFFFD800  }
0x42: {  	[tilespmem:s2], [sflag:$0x3] =	stream.linear.gather [hbm4b:s21+s2], $0x50, $0x38;
	[tilespmem:$0x5100] =	vst v63  }
0x43: {  	_ =	swait.ge [sflag:s10], $0x50  }
0x44: {  	[sflag:s10] =	ssyncset.done $0x0  }
0x45: {  	s31 =	sadd.s32 s20, s8;
	[sflag:s10] =	ssyncadd.s32 $0xFFFFFFB0  }
0x46: {  	[tilespmem:s11], [sflag:$0x3] =	stream.linear.gather [hbm4b:s31+s2], $0x50, $0x38;
	[tilespmem:$0x5100] =	vst v63  }
0x47: {  	_ =	swait.ge [sflag:s10], $0x50  }
0x48: {  	[sflag:s10] =	ssyncset.done $0x0  }
0x49: {  	[sflag:s10] =	ssyncadd.s32 $0xFFFFFFB0  }
0x4a: {  	[tilespmem:s13], [sflag:$0x1] =	stream.indirect.gather [hbm4b:s3+s12], $0x80, s2, s12, $0xb8;
	[tilespmem:$0x5100] =	vst v63  }
0x4b: {  	_ = 	snop  }
0x4c: {  	[tilespmem:s14], [sflag:$0x2] =	stream.indirect.gather [hbm4b:s4+s12], $0x80, s11, s12, $0xb8;
	[tilespmem:$0x5100] =	vst v63  }
0x4d: {  	_ =	swait.ge [sflag:s15], $0x2800  }
0x4e: {  	[sflag:s15] =	ssyncset.done $0x0  }
0x4f: {  	[sflag:s15] =	ssyncadd.s32 $0xFFFFD800  }
0x50: {  	_ =	swait.ge [sflag:s16], $0x2800  }
0x51: {  	[sflag:s16] =	ssyncset.done $0x0  }
0x52: {  	[sflag:s16] =	ssyncadd.s32 $0xFFFFD800  }
0x53: {  	[hbm4b:s19+s2] =	stream.linear.scatter [tilespmem:s13], [sflag:$0x3], $0x2800, $0x38;
	[tilespmem:$0x5100] =	vst v63  }
0x54: {  	s17 =	sadd.s32 $0x1, s17;
	_ =	swait.ge [sflag:s10], $0x2800  }
0x55: {  	p0 =	sne.s32 s17, s5;
	[sflag:s10] =	ssyncset.done $0x0  }
.Ltmp1:
0x56: {  	[sflag:s10] =	ssyncadd.s32 $0xFFFFD800;
	(pc) =	sbr.rel @p0 .LBB2_1-.Ltmp1, $4  }
0x57: {  	[hbm4b:s18+s2] =	stream.linear.scatter [tilespmem:s14], [sflag:$0x3], $0x2800, $0x38;
	[tilespmem:$0x5100] =	vst v63  }
0x58: {  	_ =	swait.ge [sflag:s10], $0x2800  }
0x59: {  	[sflag:s10] =	ssyncset.done $0x0  }
0x5a: {  	[sflag:s10] =	ssyncadd.s32 $0xFFFFD800  }
0x5b: {  	_ =	sfence.sel $0x180000  }
0x5c: {  	[bflag:$0x0] =	sbarrier.arrive $0xFFFF  }
0x5d: {  	p0 =	sne.s32 s1, $0x0;
	_ =	strace $0x90000047  }
0x5e: {  	s0 =	sadd.s32 @!p0 $0x100000, s0;
	[bflag:$0x2] =	sbarrier.arrive $0xFFFF  }
0x5f: {  	[sflag:s0] =	ssyncadd.tile.s32 @!p0 $0x1;
	_ =	shalt  }
.Lfunc_end2:
_tile_overlayer_lowered:
.L_overlay_start_2:
0x60: {  	(tag) =	ssettag $0x2  }
0x61: {  	s0 =	rddreg [dreg:$0x0];
	s2 =	stileid.u32  }
0x62: {  	s1 =	rddreg [dreg:$0x1];
	p0 =	sne.s32 s2, $0x0  }
0x63: {  	s3 =	rddreg [dreg:$0x2];
	[bflag:$0x3] =	sbarrier.arrive $0xFFFF;
	s2 =	simm.s32 @!p0 $0x1C03  }
0x64: {  	[timem:s3], [sflag:s2] =	dma.local @!p0 [hbm:s0], s1  }
0x65: {  	s0 =	simm.s32 @!p0 $0x3  }
0x66: {  	_ =	swait.ge @!p0 [sflag:s0], s1  }
0x67: {  	s1 =	ssub.s32 @!p0 $0x0, s1;
	[sflag:s0] =	ssyncset.done @!p0 $0x0  }
0x68: {  	[sflag:s0] =	ssyncadd.s32 @!p0 s1  }
0x69: {  	[bflag:$0x3] =	sbarrier.arrive $0xFFFF  }
0x6a: {  	_ =	shalt  }

</sc_bundles>
